<compile_context>
chip_gen: v7x
topology: tpu7x:2x2x1
jax: 0.10.2.dev20260603
libtpu: 0.0.44.dev20260713+nightly
codegen_flags: <defaults>
</compile_context>

<pallas_src>
import functools

import jax
import jax.numpy as jnp
from jax import lax
from jax.experimental import pallas as pl
from jax.experimental.pallas import tpu as pltpu
from jax.experimental.pallas import tpu_sc as plsc

NC = 2
NS = 16
L = 16
C = 128


def _sc_segment_sum(N, D, E_pad, n_pad):
    per_w = E_pad // (NC * NS)
    n_chunks = per_w // C
    assert n_chunks % 2 == 0
    rpt = n_pad // NS
    zcopies = rpt // C

    mesh = plsc.VectorSubcoreMesh(core_axis_name="c", subcore_axis_name="s")

    @functools.partial(
        pl.kernel,
        out_type=jax.ShapeDtypeStruct((NC, n_pad, D), jnp.float32),
        mesh=mesh,
        scratch_types=[
            pltpu.VMEM((per_w,), jnp.int32),
            pltpu.VMEM((C,), jnp.int32),
            pltpu.VMEM((C,), jnp.int32),
            pltpu.VMEM((C,), jnp.float32),
            pltpu.VMEM((C,), jnp.float32),
            pltpu.VMEM((C, D), jnp.float32),
            pltpu.VMEM((C, D), jnp.float32),
            pltpu.VMEM_SHARED((n_pad, D), jnp.float32),
            pltpu.SemaphoreType.DMA,
            pltpu.SemaphoreType.DMA,
            pltpu.SemaphoreType.DMA,
            pltpu.SemaphoreType.DMA,
        ],
    )
    def body(x_hbm, src_hbm, dst_hbm, w_hbm, out_hbm, src_all,
             dstv0, dstv1, wv0, wv1, rows0, rows1, acc,
             semg0, semg1, semi0, semi1):
        cid = lax.axis_index("c")
        sid = lax.axis_index("s")
        wid = cid * NS + sid
        base = wid * per_w

        zero = jnp.zeros((L,), jnp.float32)

        def zrow(i, carry):
            for j in range(D // L):
                rows0[i, pl.ds(j * L, L)] = zero
            return carry

        lax.fori_loop(0, C, zrow, 0)
        for t in range(zcopies):
            pltpu.sync_copy(rows0, acc.at[pl.ds(sid * rpt + t * C, C)])
        plsc.subcore_barrier()

        pltpu.sync_copy(src_hbm.at[pl.ds(base, per_w)], src_all)
        pltpu.async_copy(dst_hbm.at[pl.ds(base, C)], dstv0, semi0)
        pltpu.async_copy(w_hbm.at[pl.ds(base, C)], wv0, semi0)
        pltpu.async_copy(x_hbm.at[src_all.at[pl.ds(0, C)]], rows0, semg0)

        def scale(k, rows, wv):
            def egroup(g, c2):
                wvec = wv[pl.ds(g * L, L)]
                for i in range(L):
                    e = g * L + i
                    we = wvec[i]
                    for j in range(D // L):
                        sl = pl.ds(j * L, L)
                        rows[e, sl] = rows[e, sl] * we
                return c2

            lax.fori_loop(0, C // L, egroup, 0)

        def halfiter(k, cur, nxt):
            rows_c, dstv_c, wv_c, semg_c, semi_c = cur
            rows_n, dstv_n, wv_n, semg_n, semi_n = nxt

            @pl.when(k + 1 < n_chunks)
            def _():
                off = base + (k + 1) * C
                pltpu.async_copy(
                    x_hbm.at[src_all.at[pl.ds((k + 1) * C, C)]],
                    rows_n, semg_n)
                pltpu.async_copy(dst_hbm.at[pl.ds(off, C)], dstv_n, semi_n)
                pltpu.async_copy(w_hbm.at[pl.ds(off, C)], wv_n, semi_n)

            pltpu.make_async_copy(x_hbm.at[src_all.at[pl.ds(0, C)]],
                                  rows_c, semg_c).wait()
            pltpu.make_async_copy(dst_hbm.at[pl.ds(0, C)], dstv_c,
                                  semi_c).wait()
            pltpu.make_async_copy(w_hbm.at[pl.ds(0, C)], wv_c,
                                  semi_c).wait()
            pltpu.sync_copy(rows_c, acc.at[dstv_c], add=True)

        buf0 = (rows0, dstv0, wv0, semg0, semi0)
        buf1 = (rows1, dstv1, wv1, semg1, semi1)

        def pair(kk, carry):
            k0 = 2 * kk
            halfiter(k0, buf0, buf1)
            halfiter(k0 + 1, buf1, buf0)
            return carry

        lax.fori_loop(0, n_chunks // 2, pair, 0)
        plsc.subcore_barrier()

        pltpu.sync_copy(acc.at[pl.ds(sid * rpt, rpt)],
                        out_hbm.at[cid, pl.ds(sid * rpt, rpt)])

    return body


def _tc_finish(N, D, n_pad, BR):

    def body(p_ref, w_ref, o_ref):
        p = p_ref[0] + p_ref[1]
        o_ref[...] = jnp.tanh(
            lax.dot_general(p, w_ref[...], (((1,), (0,)), ((), ())),
                            preferred_element_type=jnp.float32))

    return pl.pallas_call(
        body,
        grid=(N // BR,),
        in_specs=[
            pl.BlockSpec((2, BR, D), lambda i: (0, i, 0)),
            pl.BlockSpec((D, D), lambda i: (0, 0)),
        ],
        out_specs=pl.BlockSpec((BR, D), lambda i: (i, 0)),
        out_shape=jax.ShapeDtypeStruct((N, D), jnp.float32),
    )


def kernel(x, edge_index, edge_weight, W):
    N, D = x.shape
    E = edge_index.shape[1]

    src = edge_index[0].astype(jnp.int32)
    dst = edge_index[1].astype(jnp.int32)
    w = edge_weight.astype(jnp.float32)

    quantum = NC * NS * C * 2
    E_pad = ((E + quantum - 1) // quantum) * quantum
    pad = E_pad - E
    if pad:
        src = jnp.concatenate([src, jnp.zeros((pad,), jnp.int32)])
        dst = jnp.concatenate([dst, jnp.zeros((pad,), jnp.int32)])
        w = jnp.concatenate([w, jnp.zeros((pad,), jnp.float32)])

    n_quantum = NS * C
    n_pad = ((N + n_quantum - 1) // n_quantum) * n_quantum

    partials = _sc_segment_sum(N, D, E_pad, n_pad)(x, src, dst, w)

    BR = 400
    assert N % BR == 0
    out = _tc_finish(N, D, n_pad, BR)(partials[:, :N], W)
    return out

# --- scband reference (transcript-rebuilt; emitter-appended) ---
"""Pipeline reference for scband-gcnmodel-66726611910685 (READ-ONLY COPY).

The authoritative reference and input builder live on the scoring server;
editing this copy changes nothing except your own understanding.
"""

import jax, jax.numpy as jnp
import numpy as np

N_NODES = 10000
N_EDGES = 320000
D_IN = 128
D_OUT = 128


def setup_inputs(seed: int = 0) -> dict:
    key = jax.random.key(seed)
    k1, k2, k3, k4 = jax.random.split(key, 4)
    x = jax.random.normal(k1, (N_NODES, D_IN), dtype=jnp.float32)
    edge_index = jax.random.randint(k2, (2, N_EDGES), 0, N_NODES, dtype=jnp.int64)
    edge_weight = jax.random.uniform(k3, (N_EDGES,), dtype=jnp.float32)
    # xavier_uniform init for W [D_IN, D_OUT]
    limit = float(np.sqrt(6.0 / (D_IN + D_OUT)))
    W = jax.random.uniform(k4, (D_IN, D_OUT), dtype=jnp.float32, minval=-limit, maxval=limit)
    return {"x": x, "edge_index": edge_index, "edge_weight": edge_weight, "W": W}


def reference(x, edge_index, edge_weight, W):
    # GraphConvolution forward, support=1, num_bases=-1, bias=False, activation tanh
    # supports[0] = spmm(features, W)  (features dense here)
    support = x @ W  # [N, D_OUT]
    # outputs[0] = spmm(A, support), A given in COO form (edge_index, edge_weight)
    src = edge_index[0]
    dst = edge_index[1]
    gathered = support[src] * edge_weight[:, None]  # [E, D_OUT]
    out = jax.ops.segment_sum(gathered, dst, num_segments=x.shape[0])  # [N, D_OUT]
    # stack over support dim and sum (single support -> identity)
    return jnp.tanh(out)

if __name__ == "__main__":
    import jax
    _d = setup_inputs()
    print(jax.jit(kernel)(*tuple(_d.values())))

</pallas_src>

<mosaic_0001>
#map = affine_map<(d0, d1) -> (0, 0)>
#map1 = affine_map<(d0, d1) -> (0)>
#map2 = affine_map<(d0, d1) -> (0, 0, 0)>
module attributes {stable_mosaic.version = 14 : i64} {
  func.func @body(%arg0: i32, %arg1: i32, %arg2: memref<10000x128xf32, #tpu.memory_space<hbm>>, %arg3: memref<327680xi32, #tpu.memory_space<hbm>>, %arg4: memref<327680xi32, #tpu.memory_space<hbm>>, %arg5: memref<327680xf32, #tpu.memory_space<hbm>>, %arg6: memref<2x10240x128xf32, #tpu.memory_space<hbm>>, %arg7: memref<10240xi32, #tpu.memory_space<vmem>>, %arg8: memref<128xi32, #tpu.memory_space<vmem>>, %arg9: memref<128xi32, #tpu.memory_space<vmem>>, %arg10: memref<128xf32, #tpu.memory_space<vmem>>, %arg11: memref<128xf32, #tpu.memory_space<vmem>>, %arg12: memref<128x128xf32, #tpu.memory_space<vmem>>, %arg13: memref<128x128xf32, #tpu.memory_space<vmem>>, %arg14: memref<10240x128xf32, #tpu.memory_space<vmem_shared>>, %arg15: memref<!tpu.dma_semaphore, #tpu.memory_space<semaphore_mem>>, %arg16: memref<!tpu.dma_semaphore, #tpu.memory_space<semaphore_mem>>, %arg17: memref<!tpu.dma_semaphore, #tpu.memory_space<semaphore_mem>>, %arg18: memref<!tpu.dma_semaphore, #tpu.memory_space<semaphore_mem>>) attributes {dimension_semantics = [#tpu.dimension_semantics<core_parallel>, #tpu.dimension_semantics<subcore_parallel>], iteration_bounds = array<i64: 2, 16>, scalar_prefetch = 0 : i64, scratch_operands = 12 : i64, tpu.core_type = #tpu.core_type<sc_vector_subcore>, window_params = [{transform_indices = #map}, {transform_indices = #map1}, {transform_indices = #map1}, {transform_indices = #map1}, {transform_indices = #map2}]} {
    %mul3A = arith.constant 16 : i32
    %mul3A_0 = arith.muli %arg0, %mul3A : i32
    %add3A = arith.addi %mul3A_0, %arg1 : i32
    %mul3A_1 = arith.constant 10240 : i32
    %mul3A_2 = arith.muli %add3A, %mul3A_1 : i32
    %broadcast_in_dim3A = arith.constant 0.000000e+00 : f32
    %broadcast_in_dim3A_3 = vector.broadcast %broadcast_in_dim3A : f32 to vector<16xf32>
    %scan3A = arith.constant 0 : i32
    %scan3A_4 = arith.constant 0 : i32
    %scan3A_5 = arith.constant 128 : i32
    %scan3A_6 = arith.addi %scan3A_4, %scan3A_5 : i32
    %scan3A_7 = arith.constant 1 : i32
    scf.for %scan3A_48 = %scan3A_4 to %scan3A_6 step %scan3A_7  : i32 {
      %swap3A = arith.index_cast %scan3A_48 : i32 to index
      %swap3A_49 = arith.constant 0 : index
      %swap3A_50 = tpu.vector_load %arg12[%swap3A, %swap3A_49] {strides = array<i32>} : memref<128x128xf32, #tpu.memory_space<vmem>>, vector<1x16xf32>,
      %swap3A_51 = vector.shape_cast %swap3A_50 : vector<1x16xf32> to vector<16xf32>
      %swap3A_52 = vector.shape_cast %broadcast_in_dim3A_3 : vector<16xf32> to vector<1x16xf32>
      tpu.vector_store %arg12[%swap3A, %swap3A_49], %swap3A_52 {strides = array<i32>} : memref<128x128xf32, #tpu.memory_space<vmem>>, vector<1x16xf32>,
      %swap3A_53 = arith.index_cast %scan3A_48 : i32 to index
      %swap3A_54 = arith.constant 16 : index
      %swap3A_55 = tpu.vector_load %arg12[%swap3A_53, %swap3A_54] {strides = array<i32>} : memref<128x128xf32, #tpu.memory_space<vmem>>, vector<1x16xf32>,
      %swap3A_56 = vector.shape_cast %swap3A_55 : vector<1x16xf32> to vector<16xf32>
      %swap3A_57 = vector.shape_cast %broadcast_in_dim3A_3 : vector<16xf32> to vector<1x16xf32>
      tpu.vector_store %arg12[%swap3A_53, %swap3A_54], %swap3A_57 {strides = array<i32>} : memref<128x128xf32, #tpu.memory_space<vmem>>, vector<1x16xf32>,
      %swap3A_58 = arith.index_cast %scan3A_48 : i32 to index
      %swap3A_59 = arith.constant 32 : index
      %swap3A_60 = tpu.vector_load %arg12[%swap3A_58, %swap3A_59] {strides = array<i32>} : memref<128x128xf32, #tpu.memory_space<vmem>>, vector<1x16xf32>,
      %swap3A_61 = vector.shape_cast %swap3A_60 : vector<1x16xf32> to vector<16xf32>
      %swap3A_62 = vector.shape_cast %broadcast_in_dim3A_3 : vector<16xf32> to vector<1x16xf32>
      tpu.vector_store %arg12[%swap3A_58, %swap3A_59], %swap3A_62 {strides = array<i32>} : memref<128x128xf32, #tpu.memory_space<vmem>>, vector<1x16xf32>,
      %swap3A_63 = arith.index_cast %scan3A_48 : i32 to index
      %swap3A_64 = arith.constant 48 : index
      %swap3A_65 = tpu.vector_load %arg12[%swap3A_63, %swap3A_64] {strides = array<i32>} : memref<128x128xf32, #tpu.memory_space<vmem>>, vector<1x16xf32>,
      %swap3A_66 = vector.shape_cast %swap3A_65 : vector<1x16xf32> to vector<16xf32>
      %swap3A_67 = vector.shape_cast %broadcast_in_dim3A_3 : vector<16xf32> to vector<1x16xf32>
      tpu.vector_store %arg12[%swap3A_63, %swap3A_64], %swap3A_67 {strides = array<i32>} : memref<128x128xf32, #tpu.memory_space<vmem>>, vector<1x16xf32>,
      %swap3A_68 = arith.index_cast %scan3A_48 : i32 to index
      %swap3A_69 = arith.constant 64 : index
      %swap3A_70 = tpu.vector_load %arg12[%swap3A_68, %swap3A_69] {strides = array<i32>} : memref<128x128xf32, #tpu.memory_space<vmem>>, vector<1x16xf32>,
      %swap3A_71 = vector.shape_cast %swap3A_70 : vector<1x16xf32> to vector<16xf32>
      %swap3A_72 = vector.shape_cast %broadcast_in_dim3A_3 : vector<16xf32> to vector<1x16xf32>
      tpu.vector_store %arg12[%swap3A_68, %swap3A_69], %swap3A_72 {strides = array<i32>} : memref<128x128xf32, #tpu.memory_space<vmem>>, vector<1x16xf32>,
      %swap3A_73 = arith.index_cast %scan3A_48 : i32 to index
      %swap3A_74 = arith.constant 80 : index
      %swap3A_75 = tpu.vector_load %arg12[%swap3A_73, %swap3A_74] {strides = array<i32>} : memref<128x128xf32, #tpu.memory_space<vmem>>, vector<1x16xf32>,
      %swap3A_76 = vector.shape_cast %swap3A_75 : vector<1x16xf32> to vector<16xf32>
      %swap3A_77 = vector.shape_cast %broadcast_in_dim3A_3 : vector<16xf32> to vector<1x16xf32>
      tpu.vector_store %arg12[%swap3A_73, %swap3A_74], %swap3A_77 {strides = array<i32>} : memref<128x128xf32, #tpu.memory_space<vmem>>, vector<1x16xf32>,
      %swap3A_78 = arith.index_cast %scan3A_48 : i32 to index
      %swap3A_79 = arith.constant 96 : index
      %swap3A_80 = tpu.vector_load %arg12[%swap3A_78, %swap3A_79] {strides = array<i32>} : memref<128x128xf32, #tpu.memory_space<vmem>>, vector<1x16xf32>,
      %swap3A_81 = vector.shape_cast %swap3A_80 : vector<1x16xf32> to vector<16xf32>
      %swap3A_82 = vector.shape_cast %broadcast_in_dim3A_3 : vector<16xf32> to vector<1x16xf32>
      tpu.vector_store %arg12[%swap3A_78, %swap3A_79], %swap3A_82 {strides = array<i32>} : memref<128x128xf32, #tpu.memory_space<vmem>>, vector<1x16xf32>,
      %swap3A_83 = arith.index_cast %scan3A_48 : i32 to index
      %swap3A_84 = arith.constant 112 : index
      %swap3A_85 = tpu.vector_load %arg12[%swap3A_83, %swap3A_84] {strides = array<i32>} : memref<128x128xf32, #tpu.memory_space<vmem>>, vector<1x16xf32>,
      %swap3A_86 = vector.shape_cast %swap3A_85 : vector<1x16xf32> to vector<16xf32>
      %swap3A_87 = vector.shape_cast %broadcast_in_dim3A_3 : vector<16xf32> to vector<1x16xf32>
      tpu.vector_store %arg12[%swap3A_83, %swap3A_84], %swap3A_87 {strides = array<i32>} : memref<128x128xf32, #tpu.memory_space<vmem>>, vector<1x16xf32>,
    }
    %scan3A_8 = arith.constant 128 : i32
    %mul3A_9 = arith.constant 640 : i32
    %mul3A_10 = arith.muli %arg1, %mul3A_9 : i32
    %add3A_11 = arith.constant 0 : i32
    %add3A_12 = arith.addi %mul3A_10, %add3A_11 : i32
    "tpu.region"() ({
      %run_scoped3A = tpu.sem_alloc : memref<!tpu.dma_semaphore, #tpu.memory_space<semaphore_mem>>
      %dma_start3A_48 = arith.constant 0 : i32
      %dma_start3A_49 = tpu.memref_slice %arg14[%add3A_12, %dma_start3A_48] : memref<10240x128xf32, #tpu.memory_space<vmem_shared>> -> memref<128x128xf32, #tpu.memory_space<vmem_shared>>
      %dma_start3A_50 = arith.constant 0 : i32
      %dma_start3A_51 = tpu.memref_slice %arg14[%add3A_12, %dma_start3A_50] : memref<10240x128xf32, #tpu.memory_space<vmem_shared>> -> memref<128x128xf32, #tpu.memory_space<vmem_shared>>
      tpu.enqueue_dma source(%arg12 : memref<128x128xf32, #tpu.memory_space<vmem>>) target(%dma_start3A_51 : memref<128x128xf32, #tpu.memory_space<vmem_shared>>) target_semaphore(%run_scoped3A : memref<!tpu.dma_semaphore, #tpu.memory_space<semaphore_mem>>)
      %dma_wait3A = arith.constant 0 : i32
      %dma_wait3A_52 = tpu.memref_slice %arg14[%add3A_12, %dma_wait3A] : memref<10240x128xf32, #tpu.memory_space<vmem_shared>> -> memref<128x128xf32, #tpu.memory_space<vmem_shared>>
      %dma_wait3A_53 = arith.constant 0 : i32
      %dma_wait3A_54 = tpu.memref_slice %arg14[%add3A_12, %dma_wait3A_53] : memref<10240x128xf32, #tpu.memory_space<vmem_shared>> -> memref<128x128xf32, #tpu.memory_space<vmem_shared>>
      tpu.wait_dma2 semaphore(%run_scoped3A : memref<!tpu.dma_semaphore, #tpu.memory_space<semaphore_mem>>) src(%arg12 : memref<128x128xf32, #tpu.memory_space<vmem>>) dst(%dma_wait3A_54 : memref<128x128xf32, #tpu.memory_space<vmem_shared>>)
      tpu.yield
    }) : () -> ()
    %mul3A_13 = arith.constant 640 : i32
    %mul3A_14 = arith.muli %arg1, %mul3A_13 : i32
    %add3A_15 = arith.constant 128 : i32
    %add3A_16 = arith.addi %mul3A_14, %add3A_15 : i32
    "tpu.region"() ({
      %run_scoped3A = tpu.sem_alloc : memref<!tpu.dma_semaphore, #tpu.memory_space<semaphore_mem>>
      %dma_start3A_48 = arith.constant 0 : i32
      %dma_start3A_49 = tpu.memref_slice %arg14[%add3A_16, %dma_start3A_48] : memref<10240x128xf32, #tpu.memory_space<vmem_shared>> -> memref<128x128xf32, #tpu.memory_space<vmem_shared>>
      %dma_start3A_50 = arith.constant 0 : i32
      %dma_start3A_51 = tpu.memref_slice %arg14[%add3A_16, %dma_start3A_50] : memref<10240x128xf32, #tpu.memory_space<vmem_shared>> -> memref<128x128xf32, #tpu.memory_space<vmem_shared>>
      tpu.enqueue_dma source(%arg12 : memref<128x128xf32, #tpu.memory_space<vmem>>) target(%dma_start3A_51 : memref<128x128xf32, #tpu.memory_space<vmem_shared>>) target_semaphore(%run_scoped3A : memref<!tpu.dma_semaphore, #tpu.memory_space<semaphore_mem>>)
      %dma_wait3A = arith.constant 0 : i32
      %dma_wait3A_52 = tpu.memref_slice %arg14[%add3A_16, %dma_wait3A] : memref<10240x128xf32, #tpu.memory_space<vmem_shared>> -> memref<128x128xf32, #tpu.memory_space<vmem_shared>>
      %dma_wait3A_53 = arith.constant 0 : i32
      %dma_wait3A_54 = tpu.memref_slice %arg14[%add3A_16, %dma_wait3A_53] : memref<10240x128xf32, #tpu.memory_space<vmem_shared>> -> memref<128x128xf32, #tpu.memory_space<vmem_shared>>
      tpu.wait_dma2 semaphore(%run_scoped3A : memref<!tpu.dma_semaphore, #tpu.memory_space<semaphore_mem>>) src(%arg12 : memref<128x128xf32, #tpu.memory_space<vmem>>) dst(%dma_wait3A_54 : memref<128x128xf32, #tpu.memory_space<vmem_shared>>)
      tpu.yield
    }) : () -> ()
    %mul3A_17 = arith.constant 640 : i32
    %mul3A_18 = arith.muli %arg1, %mul3A_17 : i32
    %add3A_19 = arith.constant 256 : i32
    %add3A_20 = arith.addi %mul3A_18, %add3A_19 : i32
    "tpu.region"() ({
      %run_scoped3A = tpu.sem_alloc : memref<!tpu.dma_semaphore, #tpu.memory_space<semaphore_mem>>
      %dma_start3A_48 = arith.constant 0 : i32
      %dma_start3A_49 = tpu.memref_slice %arg14[%add3A_20, %dma_start3A_48] : memref<10240x128xf32, #tpu.memory_space<vmem_shared>> -> memref<128x128xf32, #tpu.memory_space<vmem_shared>>
      %dma_start3A_50 = arith.constant 0 : i32
      %dma_start3A_51 = tpu.memref_slice %arg14[%add3A_20, %dma_start3A_50] : memref<10240x128xf32, #tpu.memory_space<vmem_shared>> -> memref<128x128xf32, #tpu.memory_space<vmem_shared>>
      tpu.enqueue_dma source(%arg12 : memref<128x128xf32, #tpu.memory_space<vmem>>) target(%dma_start3A_51 : memref<128x128xf32, #tpu.memory_space<vmem_shared>>) target_semaphore(%run_scoped3A : memref<!tpu.dma_semaphore, #tpu.memory_space<semaphore_mem>>)
      %dma_wait3A = arith.constant 0 : i32
      %dma_wait3A_52 = tpu.memref_slice %arg14[%add3A_20, %dma_wait3A] : memref<10240x128xf32, #tpu.memory_space<vmem_shared>> -> memref<128x128xf32, #tpu.memory_space<vmem_shared>>
      %dma_wait3A_53 = arith.constant 0 : i32
      %dma_wait3A_54 = tpu.memref_slice %arg14[%add3A_20, %dma_wait3A_53] : memref<10240x128xf32, #tpu.memory_space<vmem_shared>> -> memref<128x128xf32, #tpu.memory_space<vmem_shared>>
      tpu.wait_dma2 semaphore(%run_scoped3A : memref<!tpu.dma_semaphore, #tpu.memory_space<semaphore_mem>>) src(%arg12 : memref<128x128xf32, #tpu.memory_space<vmem>>) dst(%dma_wait3A_54 : memref<128x128xf32, #tpu.memory_space<vmem_shared>>)
      tpu.yield
    }) : () -> ()
    %mul3A_21 = arith.constant 640 : i32
    %mul3A_22 = arith.muli %arg1, %mul3A_21 : i32
    %add3A_23 = arith.constant 384 : i32
    %add3A_24 = arith.addi %mul3A_22, %add3A_23 : i32
    "tpu.region"() ({
      %run_scoped3A = tpu.sem_alloc : memref<!tpu.dma_semaphore, #tpu.memory_space<semaphore_mem>>
      %dma_start3A_48 = arith.constant 0 : i32
      %dma_start3A_49 = tpu.memref_slice %arg14[%add3A_24, %dma_start3A_48] : memref<10240x128xf32, #tpu.memory_space<vmem_shared>> -> memref<128x128xf32, #tpu.memory_space<vmem_shared>>
      %dma_start3A_50 = arith.constant 0 : i32
      %dma_start3A_51 = tpu.memref_slice %arg14[%add3A_24, %dma_start3A_50] : memref<10240x128xf32, #tpu.memory_space<vmem_shared>> -> memref<128x128xf32, #tpu.memory_space<vmem_shared>>
      tpu.enqueue_dma source(%arg12 : memref<128x128xf32, #tpu.memory_space<vmem>>) target(%dma_start3A_51 : memref<128x128xf32, #tpu.memory_space<vmem_shared>>) target_semaphore(%run_scoped3A : memref<!tpu.dma_semaphore, #tpu.memory_space<semaphore_mem>>)
      %dma_wait3A = arith.constant 0 : i32
      %dma_wait3A_52 = tpu.memref_slice %arg14[%add3A_24, %dma_wait3A] : memref<10240x128xf32, #tpu.memory_space<vmem_shared>> -> memref<128x128xf32, #tpu.memory_space<vmem_shared>>
      %dma_wait3A_53 = arith.constant 0 : i32
      %dma_wait3A_54 = tpu.memref_slice %arg14[%add3A_24, %dma_wait3A_53] : memref<10240x128xf32, #tpu.memory_space<vmem_shared>> -> memref<128x128xf32, #tpu.memory_space<vmem_shared>>
      tpu.wait_dma2 semaphore(%run_scoped3A : memref<!tpu.dma_semaphore, #tpu.memory_space<semaphore_mem>>) src(%arg12 : memref<128x128xf32, #tpu.memory_space<vmem>>) dst(%dma_wait3A_54 : memref<128x128xf32, #tpu.memory_space<vmem_shared>>)
      tpu.yield
    }) : () -> ()
    %mul3A_25 = arith.constant 640 : i32
    %mul3A_26 = arith.muli %arg1, %mul3A_25 : i32
    %add3A_27 = arith.constant 512 : i32
    %add3A_28 = arith.addi %mul3A_26, %add3A_27 : i32
    "tpu.region"() ({
      %run_scoped3A = tpu.sem_alloc : memref<!tpu.dma_semaphore, #tpu.memory_space<semaphore_mem>>
      %dma_start3A_48 = arith.constant 0 : i32
      %dma_start3A_49 = tpu.memref_slice %arg14[%add3A_28, %dma_start3A_48] : memref<10240x128xf32, #tpu.memory_space<vmem_shared>> -> memref<128x128xf32, #tpu.memory_space<vmem_shared>>
      %dma_start3A_50 = arith.constant 0 : i32
      %dma_start3A_51 = tpu.memref_slice %arg14[%add3A_28, %dma_start3A_50] : memref<10240x128xf32, #tpu.memory_space<vmem_shared>> -> memref<128x128xf32, #tpu.memory_space<vmem_shared>>
      tpu.enqueue_dma source(%arg12 : memref<128x128xf32, #tpu.memory_space<vmem>>) target(%dma_start3A_51 : memref<128x128xf32, #tpu.memory_space<vmem_shared>>) target_semaphore(%run_scoped3A : memref<!tpu.dma_semaphore, #tpu.memory_space<semaphore_mem>>)
      %dma_wait3A = arith.constant 0 : i32
      %dma_wait3A_52 = tpu.memref_slice %arg14[%add3A_28, %dma_wait3A] : memref<10240x128xf32, #tpu.memory_space<vmem_shared>> -> memref<128x128xf32, #tpu.memory_space<vmem_shared>>
      %dma_wait3A_53 = arith.constant 0 : i32
      %dma_wait3A_54 = tpu.memref_slice %arg14[%add3A_28, %dma_wait3A_53] : memref<10240x128xf32, #tpu.memory_space<vmem_shared>> -> memref<128x128xf32, #tpu.memory_space<vmem_shared>>
      tpu.wait_dma2 semaphore(%run_scoped3A : memref<!tpu.dma_semaphore, #tpu.memory_space<semaphore_mem>>) src(%arg12 : memref<128x128xf32, #tpu.memory_space<vmem>>) dst(%dma_wait3A_54 : memref<128x128xf32, #tpu.memory_space<vmem_shared>>)
      tpu.yield
    }) : () -> ()
    %barrier3A = arith.constant 0 : index
    tpu.barrier barrier_id(%barrier3A)
    "tpu.region"() ({
      %run_scoped3A = tpu.sem_alloc : memref<!tpu.dma_semaphore, #tpu.memory_space<semaphore_mem>>
      %dma_start3A_48 = tpu.memref_slice %arg3[%mul3A_2] : memref<327680xi32, #tpu.memory_space<hbm>> -> memref<10240xi32, #tpu.memory_space<hbm>>
      %dma_start3A_49 = tpu.memref_slice %arg3[%mul3A_2] : memref<327680xi32, #tpu.memory_space<hbm>> -> memref<10240xi32, #tpu.memory_space<hbm>>
      tpu.enqueue_dma source(%dma_start3A_49 : memref<10240xi32, #tpu.memory_space<hbm>>) target(%arg7 : memref<10240xi32, #tpu.memory_space<vmem>>) target_semaphore(%run_scoped3A : memref<!tpu.dma_semaphore, #tpu.memory_space<semaphore_mem>>)
      %dma_wait3A = tpu.memref_slice %arg3[%mul3A_2] : memref<327680xi32, #tpu.memory_space<hbm>> -> memref<10240xi32, #tpu.memory_space<hbm>>
      %dma_wait3A_50 = tpu.memref_slice %arg3[%mul3A_2] : memref<327680xi32, #tpu.memory_space<hbm>> -> memref<10240xi32, #tpu.memory_space<hbm>>
      tpu.wait_dma2 semaphore(%run_scoped3A : memref<!tpu.dma_semaphore, #tpu.memory_space<semaphore_mem>>) src(%dma_wait3A_50 : memref<10240xi32, #tpu.memory_space<hbm>>) dst(%arg7 : memref<10240xi32, #tpu.memory_space<vmem>>)
      tpu.yield
    }) : () -> ()
    %dma_start3A = tpu.memref_slice %arg4[%mul3A_2] : memref<327680xi32, #tpu.memory_space<hbm>> -> memref<128xi32, #tpu.memory_space<hbm>>
    %dma_start3A_29 = tpu.memref_slice %arg4[%mul3A_2] : memref<327680xi32, #tpu.memory_space<hbm>> -> memref<128xi32, #tpu.memory_space<hbm>>
    tpu.enqueue_dma source(%dma_start3A_29 : memref<128xi32, #tpu.memory_space<hbm>>) target(%arg8 : memref<128xi32, #tpu.memory_space<vmem>>) target_semaphore(%arg17 : memref<!tpu.dma_semaphore, #tpu.memory_space<semaphore_mem>>)
    %dma_start3A_30 = tpu.memref_slice %arg5[%mul3A_2] : memref<327680xf32, #tpu.memory_space<hbm>> -> memref<128xf32, #tpu.memory_space<hbm>>
    %dma_start3A_31 = tpu.memref_slice %arg5[%mul3A_2] : memref<327680xf32, #tpu.memory_space<hbm>> -> memref<128xf32, #tpu.memory_space<hbm>>
    tpu.enqueue_dma source(%dma_start3A_31 : memref<128xf32, #tpu.memory_space<hbm>>) target(%arg10 : memref<128xf32, #tpu.memory_space<vmem>>) target_semaphore(%arg17 : memref<!tpu.dma_semaphore, #tpu.memory_space<semaphore_mem>>)
    %dma_start3A_32 = arith.constant 0 : i32
    %dma_start3A_33 = tpu.memref_slice %arg7[%dma_start3A_32] : memref<10240xi32, #tpu.memory_space<vmem>> -> memref<128xi32, #tpu.memory_space<vmem>>
    %dma_start3A_34 = arith.constant 0 : i32
    %dma_start3A_35 = arith.constant 0 : i32
    %dma_start3A_36 = tpu.memref_slice %arg2[%dma_start3A_34, %dma_start3A_35] : memref<10000x128xf32, #tpu.memory_space<hbm>> -> memref<10000x128xf32, #tpu.memory_space<hbm>>
    tpu.enqueue_indirect_dma source(%dma_start3A_36 : memref<10000x128xf32, #tpu.memory_space<hbm>>) target(%arg12 : memref<128x128xf32, #tpu.memory_space<vmem>>) offsets(%dma_start3A_33 : memref<128xi32, #tpu.memory_space<vmem>>) semaphore(%arg15 : memref<!tpu.dma_semaphore, #tpu.memory_space<semaphore_mem>>)
    %scan3A_37 = arith.constant 0 : i32
    %scan3A_38 = arith.constant 0 : i32
    %scan3A_39 = arith.constant 40 : i32
    %scan3A_40 = arith.addi %scan3A_38, %scan3A_39 : i32
    %scan3A_41 = arith.constant 1 : i32
    scf.for %scan3A_48 = %scan3A_38 to %scan3A_40 step %scan3A_41  : i32 {
      %mul3A_49 = arith.constant 2 : i32
      %mul3A_50 = arith.muli %mul3A_49, %scan3A_48 : i32
      %add3A_51 = arith.constant 1 : i32
      %add3A_52 = arith.addi %mul3A_50, %add3A_51 : i32
      %lt3A = arith.constant 80 : i32
      %lt3A_53 = arith.cmpi slt, %add3A_52, %lt3A : i32
      %convert_element_type3A = arith.extui %lt3A_53 : i1 to i32
      %cond3A = arith.constant 0 : i32
      %cond3A_54 = arith.cmpi ne, %convert_element_type3A, %cond3A : i32
      scf.if %cond3A_54 {
        %add3A_89 = arith.constant 1 : i32
        %add3A_90 = arith.addi %mul3A_50, %add3A_89 : i32
        %mul3A_91 = arith.constant 128 : i32
        %mul3A_92 = arith.muli %add3A_90, %mul3A_91 : i32
        %add3A_93 = arith.addi %mul3A_2, %mul3A_92 : i32
        %add3A_94 = arith.constant 1 : i32
        %add3A_95 = arith.addi %mul3A_50, %add3A_94 : i32
        %mul3A_96 = arith.constant 128 : i32
        %mul3A_97 = arith.muli %add3A_95, %mul3A_96 : i32
        %dma_start3A_98 = tpu.memref_slice %arg7[%mul3A_97] : memref<10240xi32, #tpu.memory_space<vmem>> -> memref<128xi32, #tpu.memory_space<vmem>>
        %dma_start3A_99 = arith.constant 0 : i32
        %dma_start3A_100 = arith.constant 0 : i32
        %dma_start3A_101 = tpu.memref_slice %arg2[%dma_start3A_99, %dma_start3A_100] : memref<10000x128xf32, #tpu.memory_space<hbm>> -> memref<10000x128xf32, #tpu.memory_space<hbm>>
        tpu.enqueue_indirect_dma source(%dma_start3A_101 : memref<10000x128xf32, #tpu.memory_space<hbm>>) target(%arg13 : memref<128x128xf32, #tpu.memory_space<vmem>>) offsets(%dma_start3A_98 : memref<128xi32, #tpu.memory_space<vmem>>) semaphore(%arg16 : memref<!tpu.dma_semaphore, #tpu.memory_space<semaphore_mem>>)
        %dma_start3A_102 = tpu.memref_slice %arg4[%add3A_93] : memref<327680xi32, #tpu.memory_space<hbm>> -> memref<128xi32, #tpu.memory_space<hbm>>
        %dma_start3A_103 = tpu.memref_slice %arg4[%add3A_93] : memref<327680xi32, #tpu.memory_space<hbm>> -> memref<128xi32, #tpu.memory_space<hbm>>
        tpu.enqueue_dma source(%dma_start3A_103 : memref<128xi32, #tpu.memory_space<hbm>>) target(%arg9 : memref<128xi32, #tpu.memory_space<vmem>>) target_semaphore(%arg18 : memref<!tpu.dma_semaphore, #tpu.memory_space<semaphore_mem>>)
        %dma_start3A_104 = tpu.memref_slice %arg5[%add3A_93] : memref<327680xf32, #tpu.memory_space<hbm>> -> memref<128xf32, #tpu.memory_space<hbm>>
        %dma_start3A_105 = tpu.memref_slice %arg5[%add3A_93] : memref<327680xf32, #tpu.memory_space<hbm>> -> memref<128xf32, #tpu.memory_space<hbm>>
        tpu.enqueue_dma source(%dma_start3A_105 : memref<128xf32, #tpu.memory_space<hbm>>) target(%arg11 : memref<128xf32, #tpu.memory_space<vmem>>) target_semaphore(%arg18 : memref<!tpu.dma_semaphore, #tpu.memory_space<semaphore_mem>>)
      } else {
      }
      %dma_wait3A = arith.constant 0 : i32
      %dma_wait3A_55 = tpu.memref_slice %arg7[%dma_wait3A] : memref<10240xi32, #tpu.memory_space<vmem>> -> memref<128xi32, #tpu.memory_space<vmem>>
      %dma_wait3A_56 = arith.constant 0 : i32
      %dma_wait3A_57 = arith.constant 0 : i32
      %dma_wait3A_58 = tpu.memref_slice %arg2[%dma_wait3A_56, %dma_wait3A_57] : memref<10000x128xf32, #tpu.memory_space<hbm>> -> memref<10000x128xf32, #tpu.memory_space<hbm>>
      tpu.wait_indirect_dma semaphore(%arg15 : memref<!tpu.dma_semaphore, #tpu.memory_space<semaphore_mem>>) src(%dma_wait3A_58 : memref<10000x128xf32, #tpu.memory_space<hbm>>) dst(%arg12 : memref<128x128xf32, #tpu.memory_space<vmem>>)
      %dma_wait3A_59 = arith.constant 0 : i32
      %dma_wait3A_60 = tpu.memref_slice %arg4[%dma_wait3A_59] : memref<327680xi32, #tpu.memory_space<hbm>> -> memref<128xi32, #tpu.memory_space<hbm>>
      %dma_wait3A_61 = arith.constant 0 : i32
      %dma_wait3A_62 = tpu.memref_slice %arg4[%dma_wait3A_61] : memref<327680xi32, #tpu.memory_space<hbm>> -> memref<128xi32, #tpu.memory_space<hbm>>
      tpu.wait_dma2 semaphore(%arg17 : memref<!tpu.dma_semaphore, #tpu.memory_space<semaphore_mem>>) src(%dma_wait3A_62 : memref<128xi32, #tpu.memory_space<hbm>>) dst(%arg8 : memref<128xi32, #tpu.memory_space<vmem>>)
      %dma_wait3A_63 = arith.constant 0 : i32
      %dma_wait3A_64 = tpu.memref_slice %arg5[%dma_wait3A_63] : memref<327680xf32, #tpu.memory_space<hbm>> -> memref<128xf32, #tpu.memory_space<hbm>>
      %dma_wait3A_65 = arith.constant 0 : i32
      %dma_wait3A_66 = tpu.memref_slice %arg5[%dma_wait3A_65] : memref<327680xf32, #tpu.memory_space<hbm>> -> memref<128xf32, #tpu.memory_space<hbm>>
      tpu.wait_dma2 semaphore(%arg17 : memref<!tpu.dma_semaphore, #tpu.memory_space<semaphore_mem>>) src(%dma_wait3A_66 : memref<128xf32, #tpu.memory_space<hbm>>) dst(%arg10 : memref<128xf32, #tpu.memory_space<vmem>>)
      "tpu.region"() ({
        %run_scoped3A = tpu.sem_alloc : memref<!tpu.dma_semaphore, #tpu.memory_space<semaphore_mem>>
        %dma_start3A_89 = arith.constant 0 : i32
        %dma_start3A_90 = arith.constant 0 : i32
        %dma_start3A_91 = tpu.memref_slice %arg14[%dma_start3A_89, %dma_start3A_90] : memref<10240x128xf32, #tpu.memory_space<vmem_shared>> -> memref<10240x128xf32, #tpu.memory_space<vmem_shared>>
        tpu.enqueue_indirect_dma source(%arg12 : memref<128x128xf32, #tpu.memory_space<vmem>>) target(%dma_start3A_91 : memref<10240x128xf32, #tpu.memory_space<vmem_shared>>) offsets(%arg8 : memref<128xi32, #tpu.memory_space<vmem>>) semaphore(%run_scoped3A : memref<!tpu.dma_semaphore, #tpu.memory_space<semaphore_mem>>) {add = true}
        %dma_wait3A_92 = arith.constant 0 : i32
        %dma_wait3A_93 = arith.constant 0 : i32
        %dma_wait3A_94 = tpu.memref_slice %arg14[%dma_wait3A_92, %dma_wait3A_93] : memref<10240x128xf32, #tpu.memory_space<vmem_shared>> -> memref<10240x128xf32, #tpu.memory_space<vmem_shared>>
        tpu.wait_indirect_dma semaphore(%run_scoped3A : memref<!tpu.dma_semaphore, #tpu.memory_space<semaphore_mem>>) src(%arg12 : memref<128x128xf32, #tpu.memory_space<vmem>>) dst(%dma_wait3A_94 : memref<10240x128xf32, #tpu.memory_space<vmem_shared>>)
        tpu.yield
      }) : () -> ()
      %add3A_67 = arith.constant 1 : i32
      %add3A_68 = arith.addi %mul3A_50, %add3A_67 : i32
      %add3A_69 = arith.constant 1 : i32
      %add3A_70 = arith.addi %add3A_68, %add3A_69 : i32
      %lt3A_71 = arith.constant 80 : i32
      %lt3A_72 = arith.cmpi slt, %add3A_70, %lt3A_71 : i32
      %convert_element_type3A_73 = arith.extui %lt3A_72 : i1 to i32
      %cond3A_74 = arith.constant 0 : i32
      %cond3A_75 = arith.cmpi ne, %convert_element_type3A_73, %cond3A_74 : i32
      scf.if %cond3A_75 {
        %add3A_89 = arith.constant 1 : i32
        %add3A_90 = arith.addi %add3A_68, %add3A_89 : i32
        %mul3A_91 = arith.constant 128 : i32
        %mul3A_92 = arith.muli %add3A_90, %mul3A_91 : i32
        %add3A_93 = arith.addi %mul3A_2, %mul3A_92 : i32
        %add3A_94 = arith.constant 1 : i32
        %add3A_95 = arith.addi %add3A_68, %add3A_94 : i32
        %mul3A_96 = arith.constant 128 : i32
        %mul3A_97 = arith.muli %add3A_95, %mul3A_96 : i32
        %dma_start3A_98 = tpu.memref_slice %arg7[%mul3A_97] : memref<10240xi32, #tpu.memory_space<vmem>> -> memref<128xi32, #tpu.memory_space<vmem>>
        %dma_start3A_99 = arith.constant 0 : i32
        %dma_start3A_100 = arith.constant 0 : i32
        %dma_start3A_101 = tpu.memref_slice %arg2[%dma_start3A_99, %dma_start3A_100] : memref<10000x128xf32, #tpu.memory_space<hbm>> -> memref<10000x128xf32, #tpu.memory_space<hbm>>
        tpu.enqueue_indirect_dma source(%dma_start3A_101 : memref<10000x128xf32, #tpu.memory_space<hbm>>) target(%arg12 : memref<128x128xf32, #tpu.memory_space<vmem>>) offsets(%dma_start3A_98 : memref<128xi32, #tpu.memory_space<vmem>>) semaphore(%arg15 : memref<!tpu.dma_semaphore, #tpu.memory_space<semaphore_mem>>)
        %dma_start3A_102 = tpu.memref_slice %arg4[%add3A_93] : memref<327680xi32, #tpu.memory_space<hbm>> -> memref<128xi32, #tpu.memory_space<hbm>>
        %dma_start3A_103 = tpu.memref_slice %arg4[%add3A_93] : memref<327680xi32, #tpu.memory_space<hbm>> -> memref<128xi32, #tpu.memory_space<hbm>>
        tpu.enqueue_dma source(%dma_start3A_103 : memref<128xi32, #tpu.memory_space<hbm>>) target(%arg8 : memref<128xi32, #tpu.memory_space<vmem>>) target_semaphore(%arg17 : memref<!tpu.dma_semaphore, #tpu.memory_space<semaphore_mem>>)
        %dma_start3A_104 = tpu.memref_slice %arg5[%add3A_93] : memref<327680xf32, #tpu.memory_space<hbm>> -> memref<128xf32, #tpu.memory_space<hbm>>
        %dma_start3A_105 = tpu.memref_slice %arg5[%add3A_93] : memref<327680xf32, #tpu.memory_space<hbm>> -> memref<128xf32, #tpu.memory_space<hbm>>
        tpu.enqueue_dma source(%dma_start3A_105 : memref<128xf32, #tpu.memory_space<hbm>>) target(%arg10 : memref<128xf32, #tpu.memory_space<vmem>>) target_semaphore(%arg17 : memref<!tpu.dma_semaphore, #tpu.memory_space<semaphore_mem>>)
      } else {
      }
      %dma_wait3A_76 = arith.constant 0 : i32
      %dma_wait3A_77 = tpu.memref_slice %arg7[%dma_wait3A_76] : memref<10240xi32, #tpu.memory_space<vmem>> -> memref<128xi32, #tpu.memory_space<vmem>>
      %dma_wait3A_78 = arith.constant 0 : i32
      %dma_wait3A_79 = arith.constant 0 : i32
      %dma_wait3A_80 = tpu.memref_slice %arg2[%dma_wait3A_78, %dma_wait3A_79] : memref<10000x128xf32, #tpu.memory_space<hbm>> -> memref<10000x128xf32, #tpu.memory_space<hbm>>
      tpu.wait_indirect_dma semaphore(%arg16 : memref<!tpu.dma_semaphore, #tpu.memory_space<semaphore_mem>>) src(%dma_wait3A_80 : memref<10000x128xf32, #tpu.memory_space<hbm>>) dst(%arg13 : memref<128x128xf32, #tpu.memory_space<vmem>>)
      %dma_wait3A_81 = arith.constant 0 : i32
      %dma_wait3A_82 = tpu.memref_slice %arg4[%dma_wait3A_81] : memref<327680xi32, #tpu.memory_space<hbm>> -> memref<128xi32, #tpu.memory_space<hbm>>
      %dma_wait3A_83 = arith.constant 0 : i32
      %dma_wait3A_84 = tpu.memref_slice %arg4[%dma_wait3A_83] : memref<327680xi32, #tpu.memory_space<hbm>> -> memref<128xi32, #tpu.memory_space<hbm>>
      tpu.wait_dma2 semaphore(%arg18 : memref<!tpu.dma_semaphore, #tpu.memory_space<semaphore_mem>>) src(%dma_wait3A_84 : memref<128xi32, #tpu.memory_space<hbm>>) dst(%arg9 : memref<128xi32, #tpu.memory_space<vmem>>)
      %dma_wait3A_85 = arith.constant 0 : i32
      %dma_wait3A_86 = tpu.memref_slice %arg5[%dma_wait3A_85] : memref<327680xf32, #tpu.memory_space<hbm>> -> memref<128xf32, #tpu.memory_space<hbm>>
      %dma_wait3A_87 = arith.constant 0 : i32
      %dma_wait3A_88 = tpu.memref_slice %arg5[%dma_wait3A_87] : memref<327680xf32, #tpu.memory_space<hbm>> -> memref<128xf32, #tpu.memory_space<hbm>>
      tpu.wait_dma2 semaphore(%arg18 : memref<!tpu.dma_semaphore, #tpu.memory_space<semaphore_mem>>) src(%dma_wait3A_88 : memref<128xf32, #tpu.memory_space<hbm>>) dst(%arg11 : memref<128xf32, #tpu.memory_space<vmem>>)
      "tpu.region"() ({
        %run_scoped3A = tpu.sem_alloc : memref<!tpu.dma_semaphore, #tpu.memory_space<semaphore_mem>>
        %dma_start3A_89 = arith.constant 0 : i32
        %dma_start3A_90 = arith.constant 0 : i32
        %dma_start3A_91 = tpu.memref_slice %arg14[%dma_start3A_89, %dma_start3A_90] : memref<10240x128xf32, #tpu.memory_space<vmem_shared>> -> memref<10240x128xf32, #tpu.memory_space<vmem_shared>>
        tpu.enqueue_indirect_dma source(%arg13 : memref<128x128xf32, #tpu.memory_space<vmem>>) target(%dma_start3A_91 : memref<10240x128xf32, #tpu.memory_space<vmem_shared>>) offsets(%arg9 : memref<128xi32, #tpu.memory_space<vmem>>) semaphore(%run_scoped3A : memref<!tpu.dma_semaphore, #tpu.memory_space<semaphore_mem>>) {add = true}
        %dma_wait3A_92 = arith.constant 0 : i32
        %dma_wait3A_93 = arith.constant 0 : i32
        %dma_wait3A_94 = tpu.memref_slice %arg14[%dma_wait3A_92, %dma_wait3A_93] : memref<10240x128xf32, #tpu.memory_space<vmem_shared>> -> memref<10240x128xf32, #tpu.memory_space<vmem_shared>>
        tpu.wait_indirect_dma semaphore(%run_scoped3A : memref<!tpu.dma_semaphore, #tpu.memory_space<semaphore_mem>>) src(%arg13 : memref<128x128xf32, #tpu.memory_space<vmem>>) dst(%dma_wait3A_94 : memref<10240x128xf32, #tpu.memory_space<vmem_shared>>)
        tpu.yield
      }) : () -> ()
    }
    %scan3A_42 = arith.constant 40 : i32
    %barrier3A_43 = arith.constant 0 : index
    tpu.barrier barrier_id(%barrier3A_43)
    %mul3A_44 = arith.constant 640 : i32
    %mul3A_45 = arith.muli %arg1, %mul3A_44 : i32
    %mul3A_46 = arith.constant 640 : i32
    %mul3A_47 = arith.muli %arg1, %mul3A_46 : i32
    "tpu.region"() ({
      %run_scoped3A = tpu.sem_alloc : memref<!tpu.dma_semaphore, #tpu.memory_space<semaphore_mem>>
      %dma_start3A_48 = arith.constant 0 : i32
      %dma_start3A_49 = tpu.memref_slice %arg6[%arg0, %mul3A_47, %dma_start3A_48] : memref<2x10240x128xf32, #tpu.memory_space<hbm>> -> memref<1x640x128xf32, #tpu.memory_space<hbm>>
      %dma_start3A_50 = tpu.memref_squeeze %dma_start3A_49 : memref<1x640x128xf32, #tpu.memory_space<hbm>> -> memref<640x128xf32, #tpu.memory_space<hbm>>
      %dma_start3A_51 = arith.constant 0 : i32
      %dma_start3A_52 = tpu.memref_slice %arg14[%mul3A_45, %dma_start3A_51] : memref<10240x128xf32, #tpu.memory_space<vmem_shared>> -> memref<640x128xf32, #tpu.memory_space<vmem_shared>>
      tpu.enqueue_dma source(%dma_start3A_52 : memref<640x128xf32, #tpu.memory_space<vmem_shared>>) target(%dma_start3A_50 : memref<640x128xf32, #tpu.memory_space<hbm>>) target_semaphore(%run_scoped3A : memref<!tpu.dma_semaphore, #tpu.memory_space<semaphore_mem>>)
      %dma_wait3A = arith.constant 0 : i32
      %dma_wait3A_53 = tpu.memref_slice %arg6[%arg0, %mul3A_47, %dma_wait3A] : memref<2x10240x128xf32, #tpu.memory_space<hbm>> -> memref<1x640x128xf32, #tpu.memory_space<hbm>>
      %dma_wait3A_54 = tpu.memref_squeeze %dma_wait3A_53 : memref<1x640x128xf32, #tpu.memory_space<hbm>> -> memref<640x128xf32, #tpu.memory_space<hbm>>
      %dma_wait3A_55 = arith.constant 0 : i32
      %dma_wait3A_56 = tpu.memref_slice %arg14[%mul3A_45, %dma_wait3A_55] : memref<10240x128xf32, #tpu.memory_space<vmem_shared>> -> memref<640x128xf32, #tpu.memory_space<vmem_shared>>
      tpu.wait_dma2 semaphore(%run_scoped3A : memref<!tpu.dma_semaphore, #tpu.memory_space<semaphore_mem>>) src(%dma_wait3A_56 : memref<640x128xf32, #tpu.memory_space<vmem_shared>>) dst(%dma_wait3A_54 : memref<640x128xf32, #tpu.memory_space<hbm>>)
      tpu.yield
    }) : () -> ()
    return
  }
}

module attributes {stable_mosaic.version = 14 : i64} {
  func.func @body(%arg0: i32, %arg1: memref<2x400x128xf32, #tpu.memory_space<vmem>>, %arg2: memref<128x128xf32, #tpu.memory_space<vmem>>, %arg3: memref<400x128xf32, #tpu.memory_space<vmem>>) attributes {dimension_semantics = [#tpu.dimension_semantics<arbitrary>], iteration_bounds = array<i64: 25>, scalar_prefetch = 0 : i64, scratch_operands = 0 : i64, tpu.core_type = #tpu.core_type<tc>, window_params = [{transform_indices = @transform_0, window_bounds = array<i64: 2, 400, 128>}, {pipeline_mode = #tpu.pipeline_mode<synchronous>, transform_indices = @transform_1, window_bounds = array<i64: 128, 128>}, {transform_indices = @transform_2, window_bounds = array<i64: 400, 128>}]} {
    %get3A = arith.constant 0 : index
    %get3A_0 = arith.constant 0 : index
    %get3A_1 = arith.constant 0 : index
    %get3A_2 = vector.load %arg1[%get3A, %get3A_0, %get3A_1] : memref<2x400x128xf32, #tpu.memory_space<vmem>>, vector<1x400x128xf32>
    %get3A_3 = vector.shape_cast %get3A_2 : vector<1x400x128xf32> to vector<400x128xf32>
    %get3A_4 = arith.constant 1 : index
    %get3A_5 = arith.constant 0 : index
    %get3A_6 = arith.constant 0 : index
    %get3A_7 = vector.load %arg1[%get3A_4, %get3A_5, %get3A_6] : memref<2x400x128xf32, #tpu.memory_space<vmem>>, vector<1x400x128xf32>
    %get3A_8 = vector.shape_cast %get3A_7 : vector<1x400x128xf32> to vector<400x128xf32>
    %add3A = arith.addf %get3A_3, %get3A_8 : vector<400x128xf32>
    %get3A_9 = arith.constant 0 : index
    %get3A_10 = arith.constant 0 : index
    %get3A_11 = vector.load %arg2[%get3A_9, %get3A_10] : memref<128x128xf32, #tpu.memory_space<vmem>>, vector<128x128xf32>
    %dot_general3A = arith.constant dense<0.000000e+00> : vector<400x128xf32>
    %dot_general3A_12 = tpu.matmul %add3A, %get3A_11, %dot_general3A {dimension_numbers = #tpu.dot_dimension_numbers<[1], [0], [0], [1], [0, 0, 1, 1], [], []>, transpose_lhs_hint = false} : vector<400x128xf32>, vector<128x128xf32>, vector<400x128xf32> -> vector<400x128xf32>
    %tanh3A = math.tanh %dot_general3A_12 : vector<400x128xf32>
    %swap3A = arith.constant 0 : index
    %swap3A_13 = arith.constant 0 : index
    %swap3A_14 = vector.load %arg3[%swap3A, %swap3A_13] : memref<400x128xf32, #tpu.memory_space<vmem>>, vector<400x128xf32>
    tpu.vector_store %arg3[%swap3A, %swap3A_13], %tanh3A {strides = array<i32>} : memref<400x128xf32, #tpu.memory_space<vmem>>, vector<400x128xf32>,
    return
  }
  func.func @transform_0(%arg0: i32) -> (i32, i32, i32) {
    %c0_i32 = arith.constant 0 : i32
    %c0_i32_0 = arith.constant 0 : i32
    %c0_i32_1 = arith.constant 0 : i32
    return %c0_i32, %arg0, %c0_i32_0 : i32, i32, i32
  }
  func.func @transform_1(%arg0: i32) -> (i32, i32) {
    %c0_i32 = arith.constant 0 : i32
    %c0_i32_0 = arith.constant 0 : i32
    %c0_i32_1 = arith.constant 0 : i32
    return %c0_i32, %c0_i32_0 : i32, i32
  }
  func.func @transform_2(%arg0: i32) -> (i32, i32) {
    %c0_i32 = arith.constant 0 : i32
    %c0_i32_0 = arith.constant 0 : i32
    return %arg0, %c0_i32 : i32, i32
  }
}

</mosaic_0001>

<sc_bundles>
// kernel: kernel.4.cloned.1.call-start
scs
__scs_entry_jumppad:
0x0: {  	(pc) =	sbr.rel $0x88, $3  }
0x1: {  	(tag) =	ssettag $0x0;
	lr =	simm.s32 $0x1  }
0x2: {  	[smem:$0x3F9D] =	sst lr;
	_ =	strace $0xD0000000  }
0x3: {  	_ = 	snop  }
0x4: {  	_ = 	snop  }
0x5: {  	_ = 	snop  }
0x6: {  	_ = 	snop  }
0x7: {  	_ = 	snop  }
__scs_overlays_trampoline_lowered:
0x8: {  	[smem:$0x3FAC] =	sst s0  }
0x9: {  	[smem:$0x3FAD] =	sst s1  }
0xa: {  	[smem:$0x3FAE] =	sst s2  }
0xb: {  	[smem:$0x3FAF] =	sst s3  }
0xc: {  	[smem:$0x3FB0] =	sst s4  }
0xd: {  	[smem:$0x3FB1] =	sst s5  }
0xe: {  	[smem:$0x3FB2] =	sst s6  }
0xf: {  	[smem:$0x3FB3] =	sst s7  }
0x10: {  	[smem:$0x3FB4] =	sst s8  }
0x11: {  	[smem:$0x3FB5] =	sst s9;
	s0 =	simm.s32 @!p0 $0x0  }
0x12: {  	s1 =	sld [smem:$0x3F9B];
	s0 =	simm.s32 @p0 $0x1  }
0x13: {  	[smem:$0x3FB6] =	sst s0;
	s0 =	simm.s32 @!p1 $0x0  }
0x14: {  	s2 =	sld [smem:$0x3F9A];
	s0 =	simm.s32 @p1 $0x1  }
0x15: {  	[smem:$0x3FB7] =	sst s0;
	s0 =	simm.s32 @!p2 $0x0  }
0x16: {  	s3 =	sld [smem:$0x3FDB];
	s0 =	simm.s32 @p2 $0x1  }
0x17: {  	s4 =	simm.s32 $0x1BF5;
	[smem:$0x3FB9] =	sst s0  }
0x18: {  	s0 =	sld [smem:$0x3F9C];
	_ =	swait.ge [sflag:s4], $0x0  }
0x19: {  	s7 =	sld [smem:$0x3F9D]  }
0x1a: {  	s8 =	sadd.s32 $0xFFFFE003, lr  }
0x1b: {  	s9 =	sadd.s32 $0xFFFFFEF7, lr;
	s5 =	simm.s32 $0xFFFFFFFF;
	p2 =	slt.u32 s8, $0xFFFFF086  }
0x1c: {  	p1 =	slt.u32 s9, $0xF7A;
	s5 =	simm.s32 @!p2 $0x0  }
0x1d: {  	s5 =	simm.s32 @p1 $0x1;
	p0 =	seq.s32 s7, s2  }
0x1e: {  	s7 =	smul.u32 @!p0 $0xF7A, s2;
	p2 =	seq.s32 @!p0 s5, $0x0  }
0x1f: {  	s9 =	smul.u32 $0xF7A, s1;
	s8 =	simm.s32 @!p0 $0x1BF5;
	p2 =	por !p2, p0  }
0x20: {  	[sflag:s8] =	ssyncset.s32 @!p0 $0xFFFFF086;
	s6 =	sadd.s32 @!p0 s3, s7;
	s7 =	simm.s32 @!p0 $0x108  }
0x21: {  	s3 =	sadd.s32 s3, s9;
	s6 =	sadd.s32 @!p0 $0x88, s6;
	s7 =	simm.s32 @p2 $0x1082  }
0x22: {  	[simem:s7], [sflag:s8] =	dma.local @!p0 [hbm:s6], $0xF7A  }
0x23: {  	s9 =	sor.u32 $0xD0000000, s2;
	s6 =	simm.s32 $0x108;
	_ =	swait.ge @!p0 [sflag:s8], $0x0  }
0x24: {  	s3 =	sadd.s32 $0x88, s3;
	s6 =	simm.s32 @!p1 $0x1082;
	[sflag:s4] =	ssyncset.s32 $0xFFFFF086  }
0x25: {  	[simem:s6], [sflag:s4] =	dma.local [hbm:s3], $0xF7A  }
0x26: {  	[smem:$0x3F9D] =	sst s1;
	(tag) =	ssettag s2;
	_ =	strace s9  }
0x27: {  	s1 =	sld [smem:$0x3FAD]  }
0x28: {  	s2 =	sld [smem:$0x3FAE]  }
0x29: {  	s4 =	sld [smem:$0x3FB0]  }
0x2a: {  	p0 =	seq.s32 s5, $0x0;
	s5 =	sld [smem:$0x3FB1]  }
0x2b: {  	s6 =	sld [smem:$0x3FB2]  }
0x2c: {  	s7 =	sld [smem:$0x3FB3]  }
0x2d: {  	s3 =	simm.s32 $0x108;
	s8 =	sld [smem:$0x3FB4]  }
0x2e: {  	s3 =	simm.s32 @!p0 $0x1082;
	s9 =	sld [smem:$0x3FB5]  }
0x2f: {  	lr =	sadd.s32 s0, s3;
	s0 =	sld [smem:$0x3FAC]  }
0x30: {  	s3 =	sld [smem:$0x3FAF]  }
0x31: {  	[smem:$0x3FB8] =	sst s10  }
0x32: {  	s10 =	sld [smem:$0x3FB6];
	_ =	sdelay $0x3  }
0x33: {  	p0 =	seq.s32 s10, $0x1;
	s10 =	sld [smem:$0x3FB8];
	_ =	sdelay $0x3  }
0x34: {  	[smem:$0x3FB8] =	sst s10  }
0x35: {  	s10 =	sld [smem:$0x3FB7];
	_ =	sdelay $0x3  }
0x36: {  	p1 =	seq.s32 s10, $0x1;
	s10 =	sld [smem:$0x3FB8];
	_ =	sdelay $0x3  }
0x37: {  	[smem:$0x3FB8] =	sst s10  }
0x38: {  	s10 =	sld [smem:$0x3FB9]  }
0x39: {  	_ = 	snop;
	(pc) =	sbr.ind lr, $3  }
0x3a: {  	_ = 	snop  }
0x3b: {  	_ = 	snop  }
0x3c: {  	p2 =	seq.s32 s10, $0x1;
	s10 =	sld [smem:$0x3FB8]  }
0x3d: {  	_ =	shalt  }
0x3e: {  	_ =	shalt  }
0x3f: {  	_ =	shalt  }
0x40: {  	_ =	shalt  }
0x41: {  	_ =	shalt  }
0x42: {  	_ =	shalt  }
0x43: {  	_ =	shalt  }
0x44: {  	_ =	shalt  }
0x45: {  	_ =	shalt  }
0x46: {  	_ =	shalt  }
0x47: {  	_ =	shalt  }
0x48: {  	_ =	shalt  }
0x49: {  	_ =	shalt  }
0x4a: {  	_ =	shalt  }
0x4b: {  	_ =	shalt  }
0x4c: {  	_ =	shalt  }
0x4d: {  	_ =	shalt  }
0x4e: {  	_ =	shalt  }
0x4f: {  	_ =	shalt  }
0x50: {  	_ =	shalt  }
0x51: {  	_ =	shalt  }
0x52: {  	_ =	shalt  }
0x53: {  	_ =	shalt  }
0x54: {  	_ =	shalt  }
0x55: {  	_ =	shalt  }
0x56: {  	_ =	shalt  }
0x57: {  	_ =	shalt  }
0x58: {  	_ =	shalt  }
0x59: {  	_ =	shalt  }
0x5a: {  	_ =	shalt  }
0x5b: {  	_ =	shalt  }
0x5c: {  	_ =	shalt  }
0x5d: {  	_ =	shalt  }
0x5e: {  	_ =	shalt  }
0x5f: {  	_ =	shalt  }
0x60: {  	_ =	shalt  }
0x61: {  	_ =	shalt  }
0x62: {  	_ =	shalt  }
0x63: {  	_ =	shalt  }
0x64: {  	_ =	shalt  }
0x65: {  	_ =	shalt  }
0x66: {  	_ =	shalt  }
0x67: {  	_ =	shalt  }
0x68: {  	_ =	shalt  }
0x69: {  	_ =	shalt  }
0x6a: {  	_ =	shalt  }
0x6b: {  	_ =	shalt  }
0x6c: {  	_ =	shalt  }
0x6d: {  	_ =	shalt  }
0x6e: {  	_ =	shalt  }
0x6f: {  	_ =	shalt  }
0x70: {  	_ =	shalt  }
0x71: {  	_ =	shalt  }
0x72: {  	_ =	shalt  }
0x73: {  	_ =	shalt  }
0x74: {  	_ =	shalt  }
0x75: {  	_ =	shalt  }
0x76: {  	_ =	shalt  }
0x77: {  	_ =	shalt  }
0x78: {  	_ =	shalt  }
0x79: {  	_ =	shalt  }
0x7a: {  	_ =	shalt  }
0x7b: {  	_ =	shalt  }
0x7c: {  	_ =	shalt  }
0x7d: {  	_ =	shalt  }
0x7e: {  	_ =	shalt  }
0x7f: {  	_ =	shalt  }
0x80: {  	_ =	shalt  }
0x81: {  	_ =	shalt  }
0x82: {  	_ =	shalt  }
0x83: {  	_ =	shalt  }
0x84: {  	_ =	shalt  }
0x85: {  	_ =	shalt  }
0x86: {  	_ =	shalt  }
0x87: {  	_ =	shalt  }
.Lfunc_end0:
.L_simem_size_0:
called_computation_lowered:
.L_overlay_start_0:
0x88: {  	s2 =	sld [smem:$0x3FD9]  }
0x89: {  	s3 =	sld [smem:$0x3FFE];
	_ =	sdelay $0x1  }
0x8a: {  	s1 =	srdreg.scid  }
0x8b: {  	s0 =	sand.u32 $0x1, s1  }
0x8c: {  	s17 =	sshll.u32 s0, $0xA;
	s2 =	sadd.s32 s3, s2  }
0x8d: {  	s2 =	sadd.s32 s2, s17  }
0x8e: {  	[smem:$0x3FC4] =	sst s2  }
0x8f: {  	_ = 	snop  }
0x90: {  	s2 =	sld [smem:$0x3FC9]  }
0x91: {  	s18 =	sld [smem:$0x3FD0];
	(tm) =	ssettm $0x1  }
0x92: {  	s4 =	sld [smem:$0x3FFB];
	_ =	sdelay $0x3  }
0x93: {  	_ =	strace s4  }
0x94: {  	s4 =	sld [smem:$0x3FFC];
	_ =	sdelay $0x3  }
0x95: {  	_ =	strace s4  }
0x96: {  	s4 =	sld [smem:$0x3FFD];
	_ =	sdelay $0x3  }
0x97: {  	_ =	strace s4  }
0x98: {  	_ =	strace $0x8FFFFFFF  }
0x99: {  	s19 =	sld [smem:$0x3FDB];
	_ =	sdelay $0x1  }
0x9a: {  	s5 =	simm.s32 $_scs_section_size  }
0x9b: {  	s6 =	simm.s32 $_size__tile_overlayer_lowered;
	s7 =	simm.s32 $_tile_overlayer_lowered  }
0x9c: {  	s22 =	simm.s32 $0x1BFF;
	s21 =	sshll.u32 s7, $0x1;
	s4 =	sadd.s32 s5, s19  }
0x9d: {  	s8 =	simm.s32 $0x0;
	s20 =	sshll.u32 s6, $0x1;
	s6 =	sadd.s32 s21, s4  }
0x9e: {  	[timem:s8], [sflag:s22] =	dma.local [hbm:s6], s20  }
0x9f: {  	_ =	swait.ge [sflag:s22], s20  }
0xa0: {  	s5 =	ssub.s32 $0x0, s20;
	[sflag:s22] =	ssyncset.done $0x0  }
0xa1: {  	[sflag:s22] =	ssyncadd.s32 s5;
	_ =	sdelay $0x1  }
0xa2: {  	s23 =	simm.s32 $0x1B8B  }
0xa3: {  	_ =	swait.ge [sflag:s23], $0x1  }
0xa4: {  	[sflag:s23] =	ssyncset.done $0x0  }
0xa5: {  	s25 =	simm.s32 $0x1B8E;
	s24 =	sld [smem:$0x3FFE];
	[sflag:s23] =	ssyncadd.s32 $0xFFFFFFFF  }
0xa6: {  	s26 =	simm.s32 $execute0_lowered;
	[smem:$0x3FD2] =	sst s25  }
0xa7: {  	s6 =	sshll.u32 s26, $0x1;
	_ =	strace $0x80000046;
	[dreg:$0x1] =	wrdreg $0xFFFFFFFF  }
0xa8: {  	s28 =	simm.s32 $_size_execute0_lowered;
	s4 =	sadd.s32 s4, s6;
	[dreg:$0x0] =	wrdreg $0x0  }
0xa9: {  	s6 =	sshll.u32 s28, $0x1;
	[dreg:$0x2] =	wrdreg s4  }
0xaa: {  	[dreg:$0x3] =	wrdreg s6  }
0xab: {  	[dreg:$0x4] =	wrdreg $0xC0  }
0xac: {  	_ =	task [dreg:s8], $0x5FFFF  }
0xad: {  	[dreg:$0x1] =	wrdreg $0xFFFFFFFF  }
0xae: {  	[dreg:$0x0] =	wrdreg $0x60  }
0xaf: {  	[dreg:$0x2] =	wrdreg s2  }
0xb0: {  	[dreg:$0x3] =	wrdreg s18  }
0xb1: {  	[dreg:$0x4] =	wrdreg s24  }
0xb2: {  	[dreg:$0x5] =	wrdreg $0xAA000  }
0xb3: {  	[dreg:$0x6] =	wrdreg $0x9  }
0xb4: {  	_ =	task.clear_ibuf [dreg:s8], $0x7FFFF;
	_ =	strace $0x90000046  }
0xb5: {  	s29 =	simm.s32 $0x9;
	_ =	strace $0x80000048  }
0xb6: {  	_ =	swait.ge [sflag:s29], $0x1  }
0xb7: {  	[sflag:s29] =	ssyncadd.s32 $0xFFFFFFFF  }
0xb8: {  	_ =	strace $0x90000048  }
0xb9: {  	_ =	sfence  }
0xba: {  	s30 =	sld [smem:$0x0];
	_ =	sdelay $0x2  }
0xbb: {  	s31 =	sshll.u32 s1, $0xD;
	s1 =	sshrl.u32 s1, $0x2  }
0xbc: {  	s3 =	sand.u32 $0x4000, s31;
	s1 =	sadd.s32 s1, s30  }
0xbd: {  	s0 =	sor.u32 s3, s0;
	s1 =	sshll.u32 s1, $0x11  }
0xbe: {  	s0 =	sor.u32 s1, s0  }
0xbf: {  	s0 =	sadd.s32 $0x8F2B, s0  }
0xc0: {  	[sflag:s0] =	ssyncadd.remote.s32 $0x1  }
0xc1: {  	_ =	sfence.sel $0xFFFF  }
0xc2: {  	[dreg:$0x0] =	wrdreg $0xFFFFFFFF;
	(pc) =	sbr.abs _section_cstart, $3  }
0xc3: {  	[dreg:$0x1] =	wrdreg $0xFFFFFFFF  }
0xc4: {  	_ =	task.clear_ibuf [dreg:s8], $0x2FFFF;
	_ =	strace $0x9FFFFFFF  }
0xc5: {  	(tm) =	ssettm $0x7FFFFFFF  }
tec
execute0_lowered:
.L_overlay_start_1:
0x0: {  	(tag) =	ssettag $0x1  }
0x1: {  	s0 =	rddreg [dreg:$0x0]  }
0x2: {  	s1 =	rddreg [dreg:$0x1]  }
0x3: {  	s2 =	srdreg.scid;
	s6 =	rddreg [dreg:$0x2]  }
0x4: {  	s12 =	stileid.u32;
	s3 =	rddreg [dreg:$0x3];
	s4 =	simm.s32 $0x0  }
0x5: {  	s28 =	simm.s32 $0x2880;
	s2 =	sand.u32 $0x1, s2;
	s7 =	smul.u32 $0x14000, s12  }
0x6: {  	s29 =	simm.s32 $0x2980;
	s30 =	simm.s32 $0x1;
	s5 =	smul.u32 $0x140000, s2  }
0x7: {  	s31 =	simm.s32 $0x3;
	[smem:$0x7FF] =	sst s4;
	s18 =	smul.u32 $0x50000, s12  }
0x8: {  	s8 =	sadd.s32 $0xA000, s6;
	s25 =	smul.u32 $0x2800, s12;
	s5 =	sadd.s32 s7, s5  }
0x9: {  	_ =	strace $0x80000047;
	s19 =	sshll.u32 s2, $0x4;
	s5 =	sshrl.u32 s5, $0x3  }
0xa: {  	s7 =	sshrl.u32 s18, $0x2;
	s13 =	sadd.s32 s5, s6;
	s5 =	sor.u32 s12, s19  }
0xb: {  	s9 =	ssub.s32 $0x2, s2;
	s11 =	smul.u32 $0x2800, s5;
	s5 =	sadd.s32 s7, s3  }
0xc: {  	s2 =	smul.u32 $0x28000, s2;
	s10 =	sshrl.u32 s9, $0x1;
	s21 =	sadd.s32 $0x4000, s5  }
0xd: {  	s20 =	ssub.s32 s9, s10;
	s22 =	sadd.s32 $0x8000, s5;
	[dreg:$0x5] =	wrdreg s21  }
0xe: {  	s14 =	smax.u32 s20, $0x1;
	s23 =	sadd.s32 $0xC000, s5;
	[dreg:$0x6] =	wrdreg s22  }
0xf: {  	s13 =	sadd.s32 $0x14000, s13;
	s24 =	sadd.s32 $0x10000, s5;
	[dreg:$0x7] =	wrdreg s23  }
0x10: {  	s15 =	sshrl.u32 s11, $0x3;
	[dreg:$0x8] =	wrdreg s24;
	s21 =	simm.s32 $0x2A00  }
0x11: {  	s22 =	simm.s32 $0x5;
	s23 =	simm.s32 $0x2800;
	s24 =	simm.s32 $0x2900  }
0x12: {  	s1 =	sadd.s32 s1, s15;
	s11 =	sadd.s32 s6, s15;
	s12 =	sadd.s32 s8, s15  }
0x13: {  	s26 =	sadd.s32 $0x4F0, s15;
	[dreg:$0x9] =	wrdreg s1;
	s1 =	sadd.s32 s25, s2  }
0x14: {  	s15 =	sadd.s32 s6, s26;
	s16 =	sadd.s32 s8, s26;
	s2 =	sor.u32 $0x80, s1  }
0x15: {  	s25 =	simm.s32 $0x80;
	s1 =	sor.u32 $0x100, s1;
	s2 =	sshrl.u32 s2, $0x3  }
0x16: {  	s26 =	simm.s32 $0x6A00;
	s1 =	sshrl.u32 s1, $0x3;
	s17 =	sadd.s32 s2, s8  }
0x17: {  	s18 =	sadd.s32 s2, s6;
	s19 =	sadd.s32 s1, s8;
	s20 =	sadd.s32 s1, s6  }
0x18: {  	v0 =	vimm.f32 $0.0e+00;
	s2 =	simm.s32 $0x2;
	s1 =	simm.s32 $0x4;
	s6 =	simm.s32 $0x0  }
.LBB2_1:
0x19: {  	s7 =	simm.s32 $0x0;
	s8 =	simm.s32 $0x200  }
.LBB2_2:
0x1a: {  	p0 =	sne.s32 s8, $0xFE00;
	[tilespmem:s7+$0x2A70] =	vst v0  }
0x1b: {  	[tilespmem:s7+$0x2A00] =	vst v0  }
0x1c: {  	[tilespmem:s7+$0x2A10] =	vst v0  }
.Ltmp0:
0x1d: {  	[tilespmem:s7+$0x2A20] =	vst v0;
	(pc) =	sbr.rel @p0 .LBB2_2-.Ltmp0, $4  }
0x1e: {  	[tilespmem:s7+$0x2A30] =	vst v0  }
0x1f: {  	[tilespmem:s7+$0x2A40] =	vst v0  }
0x20: {  	[tilespmem:s7+$0x2A50] =	vst v0  }
0x21: {  	[tilespmem:s7+$0x2A60] =	vst v0;
	s7 =	sshra.s32 s8, $0x2;
	s8 =	sadd.s32 $0x200, s8  }
0x22: {  	[tilespmem:s7+$0x2A70] =	vst v0  }
0x23: {  	[tilespmem:s7+$0x2A00] =	vst v0  }
0x24: {  	[tilespmem:s7+$0x2A10] =	vst v0  }
0x25: {  	[tilespmem:s7+$0x2A20] =	vst v0  }
0x26: {  	[tilespmem:s7+$0x2A30] =	vst v0  }
0x27: {  	[tilespmem:s7+$0x2A40] =	vst v0  }
0x28: {  	[tilespmem:s7+$0x2A50] =	vst v0  }
0x29: {  	[tilespmem:s7+$0x2A60] =	vst v0  }
0x2a: {  	[spmem:s5] =	stream.linear.scatter [tilespmem:s21], [sflag:$0x5], $0x4000, $0x38;
	[tilespmem:$0x1EA00] =	vst v63  }
0x2b: {  	_ =	swait.ge [sflag:s22], $0x4000  }
0x2c: {  	[sflag:s22] =	ssyncset.done $0x0  }
0x2d: {  	s8 =	rddreg [dreg:$0x5];
	[sflag:s22] =	ssyncadd.s32 $0xFFFFC000  }
0x2e: {  	[spmem:s8] =	stream.linear.scatter [tilespmem:s21], [sflag:$0x5], $0x4000, $0x38;
	[tilespmem:$0x1EA00] =	vst v63  }
0x2f: {  	_ =	swait.ge [sflag:s22], $0x4000  }
0x30: {  	[sflag:s22] =	ssyncset.done $0x0  }
0x31: {  	s9 =	rddreg [dreg:$0x6];
	[sflag:s22] =	ssyncadd.s32 $0xFFFFC000  }
0x32: {  	[spmem:s9] =	stream.linear.scatter [tilespmem:s21], [sflag:$0x5], $0x4000, $0x38;
	[tilespmem:$0x1EA00] =	vst v63  }
0x33: {  	_ =	swait.ge [sflag:s22], $0x4000  }
0x34: {  	[sflag:s22] =	ssyncset.done $0x0  }
0x35: {  	s10 =	rddreg [dreg:$0x7];
	[sflag:s22] =	ssyncadd.s32 $0xFFFFC000  }
0x36: {  	[spmem:s10] =	stream.linear.scatter [tilespmem:s21], [sflag:$0x5], $0x4000, $0x38;
	[tilespmem:$0x1EA00] =	vst v63  }
0x37: {  	_ =	swait.ge [sflag:s22], $0x4000  }
0x38: {  	[sflag:s22] =	ssyncset.done $0x0  }
0x39: {  	s8 =	rddreg [dreg:$0x8];
	[sflag:s22] =	ssyncadd.s32 $0xFFFFC000  }
0x3a: {  	[spmem:s8] =	stream.linear.scatter [tilespmem:s21], [sflag:$0x5], $0x4000, $0x38;
	[tilespmem:$0x1EA00] =	vst v63  }
0x3b: {  	_ =	swait.ge [sflag:s22], $0x4000  }
0x3c: {  	[sflag:s22] =	ssyncset.done $0x0  }
0x3d: {  	[sflag:s22] =	ssyncadd.s32 $0xFFFFC000  }
0x3e: {  	[bflag:$0x0] =	sbarrier.arrive $0xFFFF  }
0x3f: {  	s8 =	simm.s32 $0x0;
	s9 =	rddreg [dreg:$0x9]  }
0x40: {  	[tilespmem:s8], [sflag:$0x5] =	stream.linear.gather [hbm4b:s9+s8], $0x2800, $0x38;
	[tilespmem:$0x1EA00] =	vst v63  }
0x41: {  	_ =	swait.ge [sflag:s22], $0x2800  }
0x42: {  	[sflag:s22] =	ssyncset.done $0x0  }
0x43: {  	[sflag:s22] =	ssyncadd.s32 $0xFFFFD800  }
0x44: {  	[tilespmem:s23], [sflag:$0x3] =	stream.linear.gather [hbm4b:s11+s8], $0x80, $0x38;
	[tilespmem:$0x1EA00] =	vst v63  }
0x45: {  	_ = 	snop  }
0x46: {  	[tilespmem:s24], [sflag:$0x3] =	stream.linear.gather [hbm4b:s12+s8], $0x80, $0x38;
	[tilespmem:$0x1EA00] =	vst v63  }
0x47: {  	s7 =	simm.s32 $0x80  }
0x48: {  	[tilespmem:s21], [sflag:$0x1] =	stream.indirect.gather [hbm4b:s0+s7], $0x80, s8, s7, $0xb8;
	[tilespmem:$0x1EA00] =	vst v63  }
0x49: {  	_ = 	snop  }
0x4a: {  	[tilespmem:s26], [sflag:$0x2] =	stream.indirect.gather [hbm4b:s0+s25], $0x80, s7, s25, $0xb8;
	[tilespmem:$0x1EA00] =	vst v63  }
0x4b: {  	s10 =	sadd.s32 $0x0, s18  }
0x4c: {  	[tilespmem:s28], [sflag:$0x4] =	stream.linear.gather [hbm4b:s10+s4], $0x80, $0x38;
	[tilespmem:$0x1EA00] =	vst v63  }
0x4d: {  	s9 =	sadd.s32 $0x0, s17  }
0x4e: {  	[tilespmem:s29], [sflag:$0x4] =	stream.linear.gather [hbm4b:s9+s4], $0x80, $0x38;
	[tilespmem:$0x1EA00] =	vst v63  }
0x4f: {  	_ =	swait.ge [sflag:s30], $0x4000  }
0x50: {  	[sflag:s30] =	ssyncset.done $0x0  }
0x51: {  	[sflag:s30] =	ssyncadd.s32 $0xFFFFC000  }
0x52: {  	_ =	swait.ge [sflag:s31], $0x80  }
0x53: {  	[sflag:s31] =	ssyncset.done $0x0  }
0x54: {  	[sflag:s31] =	ssyncadd.s32 $0xFFFFFF80  }
0x55: {  	_ =	swait.ge [sflag:s31], $0x80  }
0x56: {  	[sflag:s31] =	ssyncset.done $0x0  }
0x57: {  	[sflag:s31] =	ssyncadd.s32 $0xFFFFFF80  }
0x58: {  	[spmem:s3] =	stream.indirect.scatter.add.f32 [tilespmem:s21], [sflag:$0x5], $0x80, s23, s25, $0xb8;
	[tilespmem:$0x1EA00] =	vst v63  }
0x59: {  	_ =	swait.ge [sflag:s22], $0x4000  }
0x5a: {  	[sflag:s22] =	ssyncset.done $0x0  }
0x5b: {  	s10 =	simm.s32 $0x100;
	[sflag:s22] =	ssyncadd.s32 $0xFFFFC000  }
0x5c: {  	[tilespmem:s21], [sflag:$0x1] =	stream.indirect.gather [hbm4b:s0+s25], $0x80, s10, s25, $0xb8;
	[tilespmem:$0x1EA00] =	vst v63  }
0x5d: {  	s9 =	sadd.s32 $0x0, s20  }
0x5e: {  	[tilespmem:s23], [sflag:$0x3] =	stream.linear.gather [hbm4b:s9+s4], $0x80, $0x38;
	[tilespmem:$0x1EA00] =	vst v63  }
0x5f: {  	s10 =	sadd.s32 $0x0, s19  }
0x60: {  	[tilespmem:s24], [sflag:$0x3] =	stream.linear.gather [hbm4b:s10+s4], $0x80, $0x38;
	[tilespmem:$0x1EA00] =	vst v63  }
0x61: {  	_ =	swait.ge [sflag:s2], $0x4000  }
0x62: {  	[sflag:s2] =	ssyncset.done $0x0  }
0x63: {  	[sflag:s2] =	ssyncadd.s32 $0xFFFFC000  }
0x64: {  	_ =	swait.ge [sflag:s1], $0x80  }
0x65: {  	[sflag:s1] =	ssyncset.done $0x0  }
0x66: {  	[sflag:s1] =	ssyncadd.s32 $0xFFFFFF80  }
0x67: {  	_ =	swait.ge [sflag:s1], $0x80  }
0x68: {  	[sflag:s1] =	ssyncset.done $0x0  }
0x69: {  	[sflag:s1] =	ssyncadd.s32 $0xFFFFFF80  }
0x6a: {  	[spmem:s3] =	stream.indirect.scatter.add.f32 [tilespmem:s26], [sflag:$0x5], $0x80, s28, s25, $0xb8;
	[tilespmem:$0x1EA00] =	vst v63  }
0x6b: {  	_ =	swait.ge [sflag:s22], $0x4000  }
0x6c: {  	s8 =	simm.s32 $0x20;
	[sflag:s22] =	ssyncset.done $0x0  }
.LBB2_4:
0x6d: {  	p0 =	sne.s32 s8, $0x4C0;
	[sflag:s22] =	ssyncadd.s32 $0xFFFFC000;
	s7 =	sadd.s32 $0x100, s7  }
0x6e: {  	[tilespmem:s26], [sflag:$0x2] =	stream.indirect.gather [hbm4b:s0+s25], $0x80, s7, s25, $0xb8;
	[tilespmem:$0x1EA00] =	vst v63  }
0x6f: {  	s9 =	sadd.s32 s8, s18;
	s10 =	smov.u32 s8;
	s8 =	sadd.s32 $0x20, s8  }
0x70: {  	[tilespmem:s28], [sflag:$0x4] =	stream.linear.gather [hbm4b:s9+s4], $0x80, $0x38;
	[tilespmem:$0x1EA00] =	vst v63  }
0x71: {  	s9 =	sadd.s32 s10, s17  }
0x72: {  	[tilespmem:s29], [sflag:$0x4] =	stream.linear.gather [hbm4b:s9+s4], $0x80, $0x38;
	[tilespmem:$0x1EA00] =	vst v63  }
0x73: {  	_ =	swait.ge [sflag:s30], $0x4000  }
0x74: {  	[sflag:s30] =	ssyncset.done $0x0  }
0x75: {  	[sflag:s30] =	ssyncadd.s32 $0xFFFFC000  }
0x76: {  	_ =	swait.ge [sflag:s31], $0x80  }
0x77: {  	[sflag:s31] =	ssyncset.done $0x0  }
0x78: {  	[sflag:s31] =	ssyncadd.s32 $0xFFFFFF80  }
0x79: {  	_ =	swait.ge [sflag:s31], $0x80  }
0x7a: {  	[sflag:s31] =	ssyncset.done $0x0  }
0x7b: {  	[sflag:s31] =	ssyncadd.s32 $0xFFFFFF80  }
0x7c: {  	[spmem:s3] =	stream.indirect.scatter.add.f32 [tilespmem:s21], [sflag:$0x5], $0x80, s23, s25, $0xb8;
	[tilespmem:$0x1EA00] =	vst v63  }
0x7d: {  	_ =	swait.ge [sflag:s22], $0x4000  }
0x7e: {  	[sflag:s22] =	ssyncset.done $0x0  }
0x7f: {  	s9 =	sadd.s32 $0x80, s7;
	[sflag:s22] =	ssyncadd.s32 $0xFFFFC000  }
0x80: {  	[tilespmem:s21], [sflag:$0x1] =	stream.indirect.gather [hbm4b:s0+s25], $0x80, s9, s25, $0xb8;
	[tilespmem:$0x1EA00] =	vst v63  }
0x81: {  	s9 =	sadd.s32 s10, s20  }
0x82: {  	[tilespmem:s23], [sflag:$0x3] =	stream.linear.gather [hbm4b:s9+s4], $0x80, $0x38;
	[tilespmem:$0x1EA00] =	vst v63  }
0x83: {  	s9 =	sadd.s32 s10, s19  }
0x84: {  	[tilespmem:s24], [sflag:$0x3] =	stream.linear.gather [hbm4b:s9+s4], $0x80, $0x38;
	[tilespmem:$0x1EA00] =	vst v63  }
0x85: {  	_ =	swait.ge [sflag:s2], $0x4000  }
0x86: {  	[sflag:s2] =	ssyncset.done $0x0  }
0x87: {  	[sflag:s2] =	ssyncadd.s32 $0xFFFFC000  }
0x88: {  	_ =	swait.ge [sflag:s1], $0x80  }
0x89: {  	[sflag:s1] =	ssyncset.done $0x0  }
0x8a: {  	[sflag:s1] =	ssyncadd.s32 $0xFFFFFF80  }
0x8b: {  	_ =	swait.ge [sflag:s1], $0x80  }
.Ltmp1:
0x8c: {  	[sflag:s1] =	ssyncset.done $0x0;
	(pc) =	sbr.rel @p0 .LBB2_4-.Ltmp1, $4  }
0x8d: {  	[sflag:s1] =	ssyncadd.s32 $0xFFFFFF80  }
0x8e: {  	[spmem:s3] =	stream.indirect.scatter.add.f32 [tilespmem:s26], [sflag:$0x5], $0x80, s28, s25, $0xb8;
	[tilespmem:$0x1EA00] =	vst v63  }
0x8f: {  	_ =	swait.ge [sflag:s22], $0x4000  }
0x90: {  	[sflag:s22] =	ssyncset.done $0x0  }
0x91: {  	[sflag:s22] =	ssyncadd.s32 $0xFFFFC000;
	s7 =	simm.s32 $0x2780  }
0x92: {  	[tilespmem:s26], [sflag:$0x2] =	stream.indirect.gather [hbm4b:s0+s25], $0x80, s7, s25, $0xb8;
	[tilespmem:$0x1EA00] =	vst v63  }
0x93: {  	_ = 	snop  }
0x94: {  	[tilespmem:s28], [sflag:$0x4] =	stream.linear.gather [hbm4b:s15+s4], $0x80, $0x38;
	[tilespmem:$0x1EA00] =	vst v63  }
0x95: {  	_ = 	snop  }
0x96: {  	[tilespmem:s29], [sflag:$0x4] =	stream.linear.gather [hbm4b:s16+s4], $0x80, $0x38;
	[tilespmem:$0x1EA00] =	vst v63  }
0x97: {  	_ =	swait.ge [sflag:s30], $0x4000  }
0x98: {  	[sflag:s30] =	ssyncset.done $0x0  }
0x99: {  	[sflag:s30] =	ssyncadd.s32 $0xFFFFC000  }
0x9a: {  	_ =	swait.ge [sflag:s31], $0x80  }
0x9b: {  	[sflag:s31] =	ssyncset.done $0x0  }
0x9c: {  	[sflag:s31] =	ssyncadd.s32 $0xFFFFFF80  }
0x9d: {  	_ =	swait.ge [sflag:s31], $0x80  }
0x9e: {  	[sflag:s31] =	ssyncset.done $0x0  }
0x9f: {  	[sflag:s31] =	ssyncadd.s32 $0xFFFFFF80  }
0xa0: {  	[spmem:s3] =	stream.indirect.scatter.add.f32 [tilespmem:s21], [sflag:$0x5], $0x80, s23, s25, $0xb8;
	[tilespmem:$0x1EA00] =	vst v63  }
0xa1: {  	_ =	swait.ge [sflag:s22], $0x4000  }
0xa2: {  	[sflag:s22] =	ssyncset.done $0x0  }
0xa3: {  	[sflag:s22] =	ssyncadd.s32 $0xFFFFC000  }
0xa4: {  	_ =	swait.ge [sflag:s2], $0x4000  }
0xa5: {  	[sflag:s2] =	ssyncset.done $0x0  }
0xa6: {  	[sflag:s2] =	ssyncadd.s32 $0xFFFFC000  }
0xa7: {  	_ =	swait.ge [sflag:s1], $0x80  }
0xa8: {  	[sflag:s1] =	ssyncset.done $0x0  }
0xa9: {  	[sflag:s1] =	ssyncadd.s32 $0xFFFFFF80  }
0xaa: {  	_ =	swait.ge [sflag:s1], $0x80  }
0xab: {  	[sflag:s1] =	ssyncset.done $0x0  }
0xac: {  	[sflag:s1] =	ssyncadd.s32 $0xFFFFFF80  }
0xad: {  	[spmem:s3] =	stream.indirect.scatter.add.f32 [tilespmem:s26], [sflag:$0x5], $0x80, s28, s25, $0xb8;
	[tilespmem:$0x1EA00] =	vst v63  }
0xae: {  	s10 =	stileid.u32;
	_ =	swait.ge [sflag:s22], $0x4000  }
0xaf: {  	s8 =	sshrl.u32 s5, $0x3;
	s6 =	sadd.s32 $0x1, s6;
	[sflag:s22] =	ssyncset.done $0x0  }
0xb0: {  	s7 =	sshll.u32 s10, $0x6;
	p0 =	sne.s32 s6, s14;
	[sflag:s22] =	ssyncadd.s32 $0xFFFFC000  }
.Ltmp2:
0xb1: {  	s7 =	sor.u32 $0x1C05, s7;
	[bflag:$0x0] =	sbarrier.arrive $0xFFFF;
	(pc) =	sbr.rel @p0 .LBB2_1-.Ltmp2, $4  }
0xb2: {  	[hbm:s13], [sflag:s7] =	dma.local [spmem:s8], $0x2800  }
0xb3: {  	_ =	swait.ge [sflag:s22], $0x2800  }
0xb4: {  	[sflag:s22] =	ssyncset.done $0x0  }
0xb5: {  	[sflag:s22] =	ssyncadd.s32 $0xFFFFD800  }
0xb6: {  	_ =	sfence.sel $0x180000  }
0xb7: {  	[bflag:$0x0] =	sbarrier.arrive $0xFFFF  }
0xb8: {  	_ =	strace $0x90000047  }
0xb9: {  	s0 =	stileid.u32;
	[bflag:$0x2] =	sbarrier.arrive $0xFFFF  }
0xba: {  	p0 =	sne.s32 s0, $0x0;
	s0 =	rddreg [dreg:$0x4]  }
0xbb: {  	s0 =	sadd.s32 @!p0 $0x100000, s0  }
0xbc: {  	[sflag:s0] =	ssyncadd.tile.s32 @!p0 $0x1;
	_ =	shalt  }
.Lfunc_end2:
_tile_overlayer_lowered:
.L_overlay_start_2:
0xbd: {  	(tag) =	ssettag $0x2  }
0xbe: {  	s0 =	rddreg [dreg:$0x0];
	s2 =	stileid.u32  }
0xbf: {  	s1 =	rddreg [dreg:$0x1];
	p0 =	sne.s32 s2, $0x0  }
0xc0: {  	s3 =	rddreg [dreg:$0x2];
	[bflag:$0x3] =	sbarrier.arrive $0xFFFF;
	s2 =	simm.s32 @!p0 $0x1C05  }
0xc1: {  	[timem:s3], [sflag:s2] =	dma.local @!p0 [hbm:s0], s1  }
0xc2: {  	s0 =	simm.s32 @!p0 $0x5  }
0xc3: {  	_ =	swait.ge @!p0 [sflag:s0], s1  }
0xc4: {  	s1 =	ssub.s32 @!p0 $0x0, s1;
	[sflag:s0] =	ssyncset.done @!p0 $0x0  }
0xc5: {  	[sflag:s0] =	ssyncadd.s32 @!p0 s1  }
0xc6: {  	[bflag:$0x3] =	sbarrier.arrive $0xFFFF  }
0xc7: {  	_ =	shalt  }

</sc_bundles>
